<compile_context>
chip_gen: v7x
topology: tpu7x:2x2x1
jax: 0.10.2.dev20260603
libtpu: 0.0.44.dev20260713+nightly
codegen_flags: <defaults>
</compile_context>

<pallas_src>
import functools

import jax
import jax.numpy as jnp
from jax import lax
from jax.experimental import pallas as pl
from jax.experimental.pallas import tpu as pltpu
from jax.experimental.pallas import tpu_sc as plsc

_L = 16


def _rsqrt(x):
    i = lax.bitcast_convert_type(x, jnp.int32)
    y = lax.bitcast_convert_type(
        jnp.int32(0x5F3759DF) - lax.shift_right_logical(i, 1), jnp.float32)
    for _ in range(3):
        y = y * (1.5 - 0.5 * x * y * y)
    return y


_GATHER_DNUMS = lax.GatherDimensionNumbers(
    offset_dims=(), collapsed_slice_dims=(0,), start_index_map=(0,))


def _take(tbl, idx):
    return lax.gather(tbl, idx[:, None], _GATHER_DNUMS, slice_sizes=(1,),
                      mode=lax.GatherScatterMode.PROMISE_IN_BOUNDS)


@functools.lru_cache(maxsize=None)
def _build(ne: int, nv: int):
    nchunk = -(-ne // _L)
    npad = nchunk * _L
    nv3 = 3 * nv
    vpad = -(-nv3 // _L) * _L

    mesh = plsc.VectorSubcoreMesh(
        core_axis_name="c", subcore_axis_name="s", num_cores=1)

    @functools.partial(
        pl.kernel,
        out_type=jax.ShapeDtypeStruct((_L,), jnp.float32),
        mesh=mesh,
        scratch_types=[
            pltpu.VMEM((vpad,), jnp.float32),
            pltpu.VMEM((4 * npad,), jnp.int32),
            pltpu.VMEM((_L,), jnp.float32),
            pltpu.SemaphoreType.DMA,
        ],
    )
    def flatten_loss(verts_hbm, i0_hbm, i1_hbm, i2_hbm, i3_hbm, out_hbm,
                     vflat_v, idx_v, out_v, sem):
        @pl.when(lax.axis_index("s") == 0)
        def _tile0():
            _body(verts_hbm, i0_hbm, i1_hbm, i2_hbm, i3_hbm, out_hbm,
                  vflat_v, idx_v, out_v, sem)

    def _body(verts_hbm, i0_hbm, i1_hbm, i2_hbm, i3_hbm, out_hbm,
              vflat_v, idx_v, out_v, sem):
        copies = [
            pltpu.async_copy(verts_hbm, vflat_v.at[pl.ds(0, nv3)], sem),
            pltpu.async_copy(i0_hbm, idx_v.at[pl.ds(0, ne)], sem),
            pltpu.async_copy(i1_hbm, idx_v.at[pl.ds(npad, ne)], sem),
            pltpu.async_copy(i2_hbm, idx_v.at[pl.ds(2 * npad, ne)], sem),
            pltpu.async_copy(i3_hbm, idx_v.at[pl.ds(3 * npad, ne)], sem),
        ]
        for c in copies:
            c.wait()

        w = [vflat_v[pl.ds(i * _L, _L)] for i in range(vpad // _L)]
        k = lax.iota(jnp.int32, _L)

        def comp_table(c):
            p = 3 * k + c
            val = _take(w[0], p & (_L - 1))
            for i in range(1, len(w)):
                val = jnp.where(p < i * _L, val, _take(w[i], p & (_L - 1)))
            return val

        vx, vy, vz = comp_table(0), comp_table(1), comp_table(2)

        acc = jnp.zeros((_L,), jnp.float32)
        for j in range(nchunk):
            off = j * _L
            tail = ne - off < _L
            pts = []
            for p in range(4):
                vidx = idx_v[pl.ds(p * npad + off, _L)]
                if tail:
                    vidx = vidx & (_L - 1)
                pts.append([_take(vx, vidx), _take(vy, vidx),
                            _take(vz, vidx)])
            p0, p1, p2, p3 = pts
            c10 = [p1[c] - p0[c] for c in range(3)]
            c20 = [p2[c] - p0[c] for c in range(3)]
            c30 = [p3[c] - p0[c] for c in range(3)]
            n0 = [c10[1] * c20[2] - c10[2] * c20[1],
                  c10[2] * c20[0] - c10[0] * c20[2],
                  c10[0] * c20[1] - c10[1] * c20[0]]
            n1 = [c10[2] * c30[1] - c10[1] * c30[2],
                  c10[0] * c30[2] - c10[2] * c30[0],
                  c10[1] * c30[0] - c10[0] * c30[1]]
            dot = n0[0] * n1[0] + n0[1] * n1[1] + n0[2] * n1[2]
            d0 = n0[0] * n0[0] + n0[1] * n0[1] + n0[2] * n0[2]
            d1 = n1[0] * n1[0] + n1[1] * n1[1] + n1[2] * n1[2]
            term = 1.0 - dot * _rsqrt(d0 * d1)
            if tail:
                term = jnp.where(k < ne - off, term, 0.0)
            acc = acc + term

        for s in (8, 4, 2, 1):
            acc = acc + _take(acc, k ^ s)
        out_v[...] = acc * (1.0 / ne)
        pltpu.sync_copy(out_v, out_hbm)

    return flatten_loss


def kernel(vertices, v0s, v1s, v2s, v3s):
    ne = v0s.shape[0]
    nv = vertices.shape[0]
    fn = _build(ne, nv)
    out = fn(jnp.ravel(vertices), v0s, v1s, v2s, v3s)
    return out[0]

# --- scband reference (transcript-rebuilt; emitter-appended) ---
"""Pipeline reference for scband-flatten-loss-83683142795533 (READ-ONLY COPY).

The authoritative reference and input builder live on the scoring server;
editing this copy changes nothing except your own understanding.
"""

import jax, jax.numpy as jnp
import numpy as np

_FACES = np.array([[0,11,5],[0,5,1],[0,1,7],[0,7,10],[0,10,11],[1,5,9],[5,11,4],[11,10,2],[10,7,6],[7,1,8],[3,9,4],[3,4,2],[3,2,6],[3,6,8],[3,8,9],[4,9,5],[2,4,11],[6,2,10],[8,6,7],[9,8,1]], dtype=np.int32)

def _build_adjacency(faces):
    edges = list(set([tuple(v) for v in np.sort(np.concatenate((faces[:, 0:2], faces[:, 1:3]), axis=0))]))
    v0s = np.array([e[0] for e in edges], 'int32')
    v1s = np.array([e[1] for e in edges], 'int32')
    v2s = []
    v3s = []
    for v0, v1 in zip(v0s, v1s):
        bface = np.sum(faces == v0, axis=1) + np.sum(faces == v1, axis=1)
        fidxs = np.where(bface == 2)[0]
        f1 = faces[fidxs[0]]
        v2s.append(f1[(f1 != v1) * (f1 != v0)][0])
        f2 = faces[fidxs[1]]
        v3s.append(f2[(f2 != v1) * (f2 != v0)][0])
    v2s = np.array(v2s, 'int32')
    v3s = np.array(v3s, 'int32')
    return v0s, v1s, v2s, v3s


def setup_inputs(seed: int = 0):
    key = jax.random.key(seed)
    v0s, v1s, v2s, v3s = _build_adjacency(_FACES)
    vertices = jax.random.normal(key, (12, 3), dtype=jnp.float32)
    return {
        'vertices': vertices,
        'v0s': jnp.asarray(v0s, dtype=jnp.int32),
        'v1s': jnp.asarray(v1s, dtype=jnp.int32),
        'v2s': jnp.asarray(v2s, dtype=jnp.int32),
        'v3s': jnp.asarray(v3s, dtype=jnp.int32),
    }


def reference(vertices, v0s, v1s, v2s, v3s):
    p0 = vertices[v0s, :]
    p1 = vertices[v1s, :]
    p2 = vertices[v2s, :]
    p3 = vertices[v3s, :]
    c10 = p1 - p0
    c20 = p2 - p0
    c30 = p3 - p0
    n0 = jnp.cross(c10, c20, axis=-1)
    n1 = -jnp.cross(c10, c30, axis=-1)
    n0n = jnp.linalg.norm(n0, axis=1)
    n1n = jnp.linalg.norm(n1, axis=1)
    cos = jnp.sum(n0 * n1, axis=1) / (n0n * n1n)
    loss = (1.0 - cos).mean()
    return loss

if __name__ == "__main__":
    import jax
    _d = setup_inputs()
    print(jax.jit(kernel)(*tuple(_d.values())))

</pallas_src>

<mosaic_0001>
#map = affine_map<(d0, d1) -> (0)>
module attributes {stable_mosaic.version = 14 : i64} {
  func.func @flatten_loss(%arg0: i32, %arg1: i32, %arg2: memref<36xf32, #tpu.memory_space<hbm>>, %arg3: memref<25xi32, #tpu.memory_space<hbm>>, %arg4: memref<25xi32, #tpu.memory_space<hbm>>, %arg5: memref<25xi32, #tpu.memory_space<hbm>>, %arg6: memref<25xi32, #tpu.memory_space<hbm>>, %arg7: memref<16xf32, #tpu.memory_space<hbm>>, %arg8: memref<48xf32, #tpu.memory_space<vmem>>, %arg9: memref<128xi32, #tpu.memory_space<vmem>>, %arg10: memref<16xf32, #tpu.memory_space<vmem>>, %arg11: memref<!tpu.dma_semaphore, #tpu.memory_space<semaphore_mem>>) attributes {dimension_semantics = [#tpu.dimension_semantics<core_parallel>, #tpu.dimension_semantics<subcore_parallel>], iteration_bounds = array<i64: 1, 16>, scalar_prefetch = 0 : i64, scratch_operands = 4 : i64, tpu.core_type = #tpu.core_type<sc_vector_subcore>, window_params = [{transform_indices = #map}, {transform_indices = #map}, {transform_indices = #map}, {transform_indices = #map}, {transform_indices = #map}, {transform_indices = #map}]} {
    %eq3A = arith.constant 0 : i32
    %eq3A_0 = arith.cmpi eq, %arg1, %eq3A : i32
    %convert_element_type3A = arith.extui %eq3A_0 : i1 to i32
    %cond3A = arith.constant 0 : i32
    %cond3A_1 = arith.cmpi ne, %convert_element_type3A, %cond3A : i32
    scf.if %cond3A_1 {
      %dma_start3A = arith.constant 0 : i32
      %dma_start3A_2 = tpu.memref_slice %arg8[%dma_start3A] : memref<48xf32, #tpu.memory_space<vmem>> -> memref<36xf32, #tpu.memory_space<vmem>>
      %dma_start3A_3 = arith.constant 0 : i32
      %dma_start3A_4 = tpu.memref_slice %arg8[%dma_start3A_3] : memref<48xf32, #tpu.memory_space<vmem>> -> memref<36xf32, #tpu.memory_space<vmem>>
      tpu.enqueue_dma source(%arg2 : memref<36xf32, #tpu.memory_space<hbm>>) target(%dma_start3A_4 : memref<36xf32, #tpu.memory_space<vmem>>) target_semaphore(%arg11 : memref<!tpu.dma_semaphore, #tpu.memory_space<semaphore_mem>>)
      %dma_start3A_5 = arith.constant 0 : i32
      %dma_start3A_6 = tpu.memref_slice %arg9[%dma_start3A_5] : memref<128xi32, #tpu.memory_space<vmem>> -> memref<25xi32, #tpu.memory_space<vmem>>
      %dma_start3A_7 = arith.constant 0 : i32
      %dma_start3A_8 = tpu.memref_slice %arg9[%dma_start3A_7] : memref<128xi32, #tpu.memory_space<vmem>> -> memref<25xi32, #tpu.memory_space<vmem>>
      tpu.enqueue_dma source(%arg3 : memref<25xi32, #tpu.memory_space<hbm>>) target(%dma_start3A_8 : memref<25xi32, #tpu.memory_space<vmem>>) target_semaphore(%arg11 : memref<!tpu.dma_semaphore, #tpu.memory_space<semaphore_mem>>)
      %dma_start3A_9 = arith.constant 32 : i32
      %dma_start3A_10 = tpu.memref_slice %arg9[%dma_start3A_9] : memref<128xi32, #tpu.memory_space<vmem>> -> memref<25xi32, #tpu.memory_space<vmem>>
      %dma_start3A_11 = arith.constant 32 : i32
      %dma_start3A_12 = tpu.memref_slice %arg9[%dma_start3A_11] : memref<128xi32, #tpu.memory_space<vmem>> -> memref<25xi32, #tpu.memory_space<vmem>>
      tpu.enqueue_dma source(%arg4 : memref<25xi32, #tpu.memory_space<hbm>>) target(%dma_start3A_12 : memref<25xi32, #tpu.memory_space<vmem>>) target_semaphore(%arg11 : memref<!tpu.dma_semaphore, #tpu.memory_space<semaphore_mem>>)
      %dma_start3A_13 = arith.constant 64 : i32
      %dma_start3A_14 = tpu.memref_slice %arg9[%dma_start3A_13] : memref<128xi32, #tpu.memory_space<vmem>> -> memref<25xi32, #tpu.memory_space<vmem>>
      %dma_start3A_15 = arith.constant 64 : i32
      %dma_start3A_16 = tpu.memref_slice %arg9[%dma_start3A_15] : memref<128xi32, #tpu.memory_space<vmem>> -> memref<25xi32, #tpu.memory_space<vmem>>
      tpu.enqueue_dma source(%arg5 : memref<25xi32, #tpu.memory_space<hbm>>) target(%dma_start3A_16 : memref<25xi32, #tpu.memory_space<vmem>>) target_semaphore(%arg11 : memref<!tpu.dma_semaphore, #tpu.memory_space<semaphore_mem>>)
      %dma_start3A_17 = arith.constant 96 : i32
      %dma_start3A_18 = tpu.memref_slice %arg9[%dma_start3A_17] : memref<128xi32, #tpu.memory_space<vmem>> -> memref<25xi32, #tpu.memory_space<vmem>>
      %dma_start3A_19 = arith.constant 96 : i32
      %dma_start3A_20 = tpu.memref_slice %arg9[%dma_start3A_19] : memref<128xi32, #tpu.memory_space<vmem>> -> memref<25xi32, #tpu.memory_space<vmem>>
      tpu.enqueue_dma source(%arg6 : memref<25xi32, #tpu.memory_space<hbm>>) target(%dma_start3A_20 : memref<25xi32, #tpu.memory_space<vmem>>) target_semaphore(%arg11 : memref<!tpu.dma_semaphore, #tpu.memory_space<semaphore_mem>>)
      %dma_wait3A = arith.constant 0 : i32
      %dma_wait3A_21 = tpu.memref_slice %arg8[%dma_wait3A] : memref<48xf32, #tpu.memory_space<vmem>> -> memref<36xf32, #tpu.memory_space<vmem>>
      %dma_wait3A_22 = arith.constant 0 : i32
      %dma_wait3A_23 = tpu.memref_slice %arg8[%dma_wait3A_22] : memref<48xf32, #tpu.memory_space<vmem>> -> memref<36xf32, #tpu.memory_space<vmem>>
      tpu.wait_dma2 semaphore(%arg11 : memref<!tpu.dma_semaphore, #tpu.memory_space<semaphore_mem>>) src(%arg2 : memref<36xf32, #tpu.memory_space<hbm>>) dst(%dma_wait3A_23 : memref<36xf32, #tpu.memory_space<vmem>>)
      %dma_wait3A_24 = arith.constant 0 : i32
      %dma_wait3A_25 = tpu.memref_slice %arg9[%dma_wait3A_24] : memref<128xi32, #tpu.memory_space<vmem>> -> memref<25xi32, #tpu.memory_space<vmem>>
      %dma_wait3A_26 = arith.constant 0 : i32
      %dma_wait3A_27 = tpu.memref_slice %arg9[%dma_wait3A_26] : memref<128xi32, #tpu.memory_space<vmem>> -> memref<25xi32, #tpu.memory_space<vmem>>
      tpu.wait_dma2 semaphore(%arg11 : memref<!tpu.dma_semaphore, #tpu.memory_space<semaphore_mem>>) src(%arg3 : memref<25xi32, #tpu.memory_space<hbm>>) dst(%dma_wait3A_27 : memref<25xi32, #tpu.memory_space<vmem>>)
      %dma_wait3A_28 = arith.constant 32 : i32
      %dma_wait3A_29 = tpu.memref_slice %arg9[%dma_wait3A_28] : memref<128xi32, #tpu.memory_space<vmem>> -> memref<25xi32, #tpu.memory_space<vmem>>
      %dma_wait3A_30 = arith.constant 32 : i32
      %dma_wait3A_31 = tpu.memref_slice %arg9[%dma_wait3A_30] : memref<128xi32, #tpu.memory_space<vmem>> -> memref<25xi32, #tpu.memory_space<vmem>>
      tpu.wait_dma2 semaphore(%arg11 : memref<!tpu.dma_semaphore, #tpu.memory_space<semaphore_mem>>) src(%arg4 : memref<25xi32, #tpu.memory_space<hbm>>) dst(%dma_wait3A_31 : memref<25xi32, #tpu.memory_space<vmem>>)
      %dma_wait3A_32 = arith.constant 64 : i32
      %dma_wait3A_33 = tpu.memref_slice %arg9[%dma_wait3A_32] : memref<128xi32, #tpu.memory_space<vmem>> -> memref<25xi32, #tpu.memory_space<vmem>>
      %dma_wait3A_34 = arith.constant 64 : i32
      %dma_wait3A_35 = tpu.memref_slice %arg9[%dma_wait3A_34] : memref<128xi32, #tpu.memory_space<vmem>> -> memref<25xi32, #tpu.memory_space<vmem>>
      tpu.wait_dma2 semaphore(%arg11 : memref<!tpu.dma_semaphore, #tpu.memory_space<semaphore_mem>>) src(%arg5 : memref<25xi32, #tpu.memory_space<hbm>>) dst(%dma_wait3A_35 : memref<25xi32, #tpu.memory_space<vmem>>)
      %dma_wait3A_36 = arith.constant 96 : i32
      %dma_wait3A_37 = tpu.memref_slice %arg9[%dma_wait3A_36] : memref<128xi32, #tpu.memory_space<vmem>> -> memref<25xi32, #tpu.memory_space<vmem>>
      %dma_wait3A_38 = arith.constant 96 : i32
      %dma_wait3A_39 = tpu.memref_slice %arg9[%dma_wait3A_38] : memref<128xi32, #tpu.memory_space<vmem>> -> memref<25xi32, #tpu.memory_space<vmem>>
      tpu.wait_dma2 semaphore(%arg11 : memref<!tpu.dma_semaphore, #tpu.memory_space<semaphore_mem>>) src(%arg6 : memref<25xi32, #tpu.memory_space<hbm>>) dst(%dma_wait3A_39 : memref<25xi32, #tpu.memory_space<vmem>>)
      %get3A = arith.constant 0 : index
      %get3A_40 = tpu.vector_load %arg8[%get3A] {strides = array<i32>} : memref<48xf32, #tpu.memory_space<vmem>>, vector<16xf32>,
      %get3A_41 = vector.shape_cast %get3A_40 : vector<16xf32> to vector<16xf32>
      %get3A_42 = arith.constant 16 : index
      %get3A_43 = tpu.vector_load %arg8[%get3A_42] {strides = array<i32>} : memref<48xf32, #tpu.memory_space<vmem>>, vector<16xf32>,
      %get3A_44 = vector.shape_cast %get3A_43 : vector<16xf32> to vector<16xf32>
      %get3A_45 = arith.constant 32 : index
      %get3A_46 = tpu.vector_load %arg8[%get3A_45] {strides = array<i32>} : memref<48xf32, #tpu.memory_space<vmem>>, vector<16xf32>,
      %get3A_47 = vector.shape_cast %get3A_46 : vector<16xf32> to vector<16xf32>
      %iota3A = tpu.iota {dimensions = array<i32: 0>} : vector<16xi32>
      %mul3A = arith.constant 3 : i32
      %mul3A_48 = vector.broadcast %mul3A : i32 to vector<16xi32>
      %mul3A_49 = arith.muli %mul3A_48, %iota3A : vector<16xi32>
      %add3A = arith.constant 0 : i32
      %add3A_50 = vector.broadcast %add3A : i32 to vector<16xi32>
      %add3A_51 = arith.addi %mul3A_49, %add3A_50 : vector<16xi32>
      %and3A = arith.constant 15 : i32
      %and3A_52 = vector.broadcast %and3A : i32 to vector<16xi32>
      %and3A_53 = arith.andi %add3A_51, %and3A_52 : vector<16xi32>
      %broadcast_in_dim3A = vector.shape_cast %and3A_53 : vector<16xi32> to vector<16x1xi32>
      %gather3A = vector.shape_cast %broadcast_in_dim3A : vector<16x1xi32> to vector<16xi32>
      %gather3A_54 = tpu.dynamic_gather %get3A_41[%gather3A] in [0] : vector<16xf32>, vector<16xi32> -> vector<16xf32>
      %lt3A = arith.constant 16 : i32
      %lt3A_55 = vector.broadcast %lt3A : i32 to vector<16xi32>
      %lt3A_56 = arith.cmpi slt, %add3A_51, %lt3A_55 : vector<16xi32>
      %and3A_57 = arith.constant 15 : i32
      %and3A_58 = vector.broadcast %and3A_57 : i32 to vector<16xi32>
      %and3A_59 = arith.andi %add3A_51, %and3A_58 : vector<16xi32>
      %broadcast_in_dim3A_60 = vector.shape_cast %and3A_59 : vector<16xi32> to vector<16x1xi32>
      %gather3A_61 = vector.shape_cast %broadcast_in_dim3A_60 : vector<16x1xi32> to vector<16xi32>
      %gather3A_62 = tpu.dynamic_gather %get3A_44[%gather3A_61] in [0] : vector<16xf32>, vector<16xi32> -> vector<16xf32>
      %select_n3A = arith.select %lt3A_56, %gather3A_54, %gather3A_62 : vector<16xi1>, vector<16xf32>
      %lt3A_63 = arith.constant 32 : i32
      %lt3A_64 = vector.broadcast %lt3A_63 : i32 to vector<16xi32>
      %lt3A_65 = arith.cmpi slt, %add3A_51, %lt3A_64 : vector<16xi32>
      %and3A_66 = arith.constant 15 : i32
      %and3A_67 = vector.broadcast %and3A_66 : i32 to vector<16xi32>
      %and3A_68 = arith.andi %add3A_51, %and3A_67 : vector<16xi32>
      %broadcast_in_dim3A_69 = vector.shape_cast %and3A_68 : vector<16xi32> to vector<16x1xi32>
      %gather3A_70 = vector.shape_cast %broadcast_in_dim3A_69 : vector<16x1xi32> to vector<16xi32>
      %gather3A_71 = tpu.dynamic_gather %get3A_47[%gather3A_70] in [0] : vector<16xf32>, vector<16xi32> -> vector<16xf32>
      %select_n3A_72 = arith.select %lt3A_65, %select_n3A, %gather3A_71 : vector<16xi1>, vector<16xf32>
      %mul3A_73 = arith.constant 3 : i32
      %mul3A_74 = vector.broadcast %mul3A_73 : i32 to vector<16xi32>
      %mul3A_75 = arith.muli %mul3A_74, %iota3A : vector<16xi32>
      %add3A_76 = arith.constant 1 : i32
      %add3A_77 = vector.broadcast %add3A_76 : i32 to vector<16xi32>
      %add3A_78 = arith.addi %mul3A_75, %add3A_77 : vector<16xi32>
      %and3A_79 = arith.constant 15 : i32
      %and3A_80 = vector.broadcast %and3A_79 : i32 to vector<16xi32>
      %and3A_81 = arith.andi %add3A_78, %and3A_80 : vector<16xi32>
      %broadcast_in_dim3A_82 = vector.shape_cast %and3A_81 : vector<16xi32> to vector<16x1xi32>
      %gather3A_83 = vector.shape_cast %broadcast_in_dim3A_82 : vector<16x1xi32> to vector<16xi32>
      %gather3A_84 = tpu.dynamic_gather %get3A_41[%gather3A_83] in [0] : vector<16xf32>, vector<16xi32> -> vector<16xf32>
      %lt3A_85 = arith.constant 16 : i32
      %lt3A_86 = vector.broadcast %lt3A_85 : i32 to vector<16xi32>
      %lt3A_87 = arith.cmpi slt, %add3A_78, %lt3A_86 : vector<16xi32>
      %and3A_88 = arith.constant 15 : i32
      %and3A_89 = vector.broadcast %and3A_88 : i32 to vector<16xi32>
      %and3A_90 = arith.andi %add3A_78, %and3A_89 : vector<16xi32>
      %broadcast_in_dim3A_91 = vector.shape_cast %and3A_90 : vector<16xi32> to vector<16x1xi32>
      %gather3A_92 = vector.shape_cast %broadcast_in_dim3A_91 : vector<16x1xi32> to vector<16xi32>
      %gather3A_93 = tpu.dynamic_gather %get3A_44[%gather3A_92] in [0] : vector<16xf32>, vector<16xi32> -> vector<16xf32>
      %select_n3A_94 = arith.select %lt3A_87, %gather3A_84, %gather3A_93 : vector<16xi1>, vector<16xf32>
      %lt3A_95 = arith.constant 32 : i32
      %lt3A_96 = vector.broadcast %lt3A_95 : i32 to vector<16xi32>
      %lt3A_97 = arith.cmpi slt, %add3A_78, %lt3A_96 : vector<16xi32>
      %and3A_98 = arith.constant 15 : i32
      %and3A_99 = vector.broadcast %and3A_98 : i32 to vector<16xi32>
      %and3A_100 = arith.andi %add3A_78, %and3A_99 : vector<16xi32>
      %broadcast_in_dim3A_101 = vector.shape_cast %and3A_100 : vector<16xi32> to vector<16x1xi32>
      %gather3A_102 = vector.shape_cast %broadcast_in_dim3A_101 : vector<16x1xi32> to vector<16xi32>
      %gather3A_103 = tpu.dynamic_gather %get3A_47[%gather3A_102] in [0] : vector<16xf32>, vector<16xi32> -> vector<16xf32>
      %select_n3A_104 = arith.select %lt3A_97, %select_n3A_94, %gather3A_103 : vector<16xi1>, vector<16xf32>
      %mul3A_105 = arith.constant 3 : i32
      %mul3A_106 = vector.broadcast %mul3A_105 : i32 to vector<16xi32>
      %mul3A_107 = arith.muli %mul3A_106, %iota3A : vector<16xi32>
      %add3A_108 = arith.constant 2 : i32
      %add3A_109 = vector.broadcast %add3A_108 : i32 to vector<16xi32>
      %add3A_110 = arith.addi %mul3A_107, %add3A_109 : vector<16xi32>
      %and3A_111 = arith.constant 15 : i32
      %and3A_112 = vector.broadcast %and3A_111 : i32 to vector<16xi32>
      %and3A_113 = arith.andi %add3A_110, %and3A_112 : vector<16xi32>
      %broadcast_in_dim3A_114 = vector.shape_cast %and3A_113 : vector<16xi32> to vector<16x1xi32>
      %gather3A_115 = vector.shape_cast %broadcast_in_dim3A_114 : vector<16x1xi32> to vector<16xi32>
      %gather3A_116 = tpu.dynamic_gather %get3A_41[%gather3A_115] in [0] : vector<16xf32>, vector<16xi32> -> vector<16xf32>
      %lt3A_117 = arith.constant 16 : i32
      %lt3A_118 = vector.broadcast %lt3A_117 : i32 to vector<16xi32>
      %lt3A_119 = arith.cmpi slt, %add3A_110, %lt3A_118 : vector<16xi32>
      %and3A_120 = arith.constant 15 : i32
      %and3A_121 = vector.broadcast %and3A_120 : i32 to vector<16xi32>
      %and3A_122 = arith.andi %add3A_110, %and3A_121 : vector<16xi32>
      %broadcast_in_dim3A_123 = vector.shape_cast %and3A_122 : vector<16xi32> to vector<16x1xi32>
      %gather3A_124 = vector.shape_cast %broadcast_in_dim3A_123 : vector<16x1xi32> to vector<16xi32>
      %gather3A_125 = tpu.dynamic_gather %get3A_44[%gather3A_124] in [0] : vector<16xf32>, vector<16xi32> -> vector<16xf32>
      %select_n3A_126 = arith.select %lt3A_119, %gather3A_116, %gather3A_125 : vector<16xi1>, vector<16xf32>
      %lt3A_127 = arith.constant 32 : i32
      %lt3A_128 = vector.broadcast %lt3A_127 : i32 to vector<16xi32>
      %lt3A_129 = arith.cmpi slt, %add3A_110, %lt3A_128 : vector<16xi32>
      %and3A_130 = arith.constant 15 : i32
      %and3A_131 = vector.broadcast %and3A_130 : i32 to vector<16xi32>
      %and3A_132 = arith.andi %add3A_110, %and3A_131 : vector<16xi32>
      %broadcast_in_dim3A_133 = vector.shape_cast %and3A_132 : vector<16xi32> to vector<16x1xi32>
      %gather3A_134 = vector.shape_cast %broadcast_in_dim3A_133 : vector<16x1xi32> to vector<16xi32>
      %gather3A_135 = tpu.dynamic_gather %get3A_47[%gather3A_134] in [0] : vector<16xf32>, vector<16xi32> -> vector<16xf32>
      %select_n3A_136 = arith.select %lt3A_129, %select_n3A_126, %gather3A_135 : vector<16xi1>, vector<16xf32>
      %broadcast_in_dim3A_137 = arith.constant 0.000000e+00 : f32
      %broadcast_in_dim3A_138 = vector.broadcast %broadcast_in_dim3A_137 : f32 to vector<16xf32>
      %get3A_139 = arith.constant 0 : index
      %get3A_140 = tpu.vector_load %arg9[%get3A_139] {strides = array<i32>} : memref<128xi32, #tpu.memory_space<vmem>>, vector<16xi32>,
      %get3A_141 = vector.shape_cast %get3A_140 : vector<16xi32> to vector<16xi32>
      %broadcast_in_dim3A_142 = vector.shape_cast %get3A_141 : vector<16xi32> to vector<16x1xi32>
      %gather3A_143 = vector.shape_cast %broadcast_in_dim3A_142 : vector<16x1xi32> to vector<16xi32>
      %gather3A_144 = tpu.dynamic_gather %select_n3A_72[%gather3A_143] in [0] : vector<16xf32>, vector<16xi32> -> vector<16xf32>
      %broadcast_in_dim3A_145 = vector.shape_cast %get3A_141 : vector<16xi32> to vector<16x1xi32>
      %gather3A_146 = vector.shape_cast %broadcast_in_dim3A_145 : vector<16x1xi32> to vector<16xi32>
      %gather3A_147 = tpu.dynamic_gather %select_n3A_104[%gather3A_146] in [0] : vector<16xf32>, vector<16xi32> -> vector<16xf32>
      %broadcast_in_dim3A_148 = vector.shape_cast %get3A_141 : vector<16xi32> to vector<16x1xi32>
      %gather3A_149 = vector.shape_cast %broadcast_in_dim3A_148 : vector<16x1xi32> to vector<16xi32>
      %gather3A_150 = tpu.dynamic_gather %select_n3A_136[%gather3A_149] in [0] : vector<16xf32>, vector<16xi32> -> vector<16xf32>
      %get3A_151 = arith.constant 32 : index
      %get3A_152 = tpu.vector_load %arg9[%get3A_151] {strides = array<i32>} : memref<128xi32, #tpu.memory_space<vmem>>, vector<16xi32>,
      %get3A_153 = vector.shape_cast %get3A_152 : vector<16xi32> to vector<16xi32>
      %broadcast_in_dim3A_154 = vector.shape_cast %get3A_153 : vector<16xi32> to vector<16x1xi32>
      %gather3A_155 = vector.shape_cast %broadcast_in_dim3A_154 : vector<16x1xi32> to vector<16xi32>
      %gather3A_156 = tpu.dynamic_gather %select_n3A_72[%gather3A_155] in [0] : vector<16xf32>, vector<16xi32> -> vector<16xf32>
      %broadcast_in_dim3A_157 = vector.shape_cast %get3A_153 : vector<16xi32> to vector<16x1xi32>
      %gather3A_158 = vector.shape_cast %broadcast_in_dim3A_157 : vector<16x1xi32> to vector<16xi32>
      %gather3A_159 = tpu.dynamic_gather %select_n3A_104[%gather3A_158] in [0] : vector<16xf32>, vector<16xi32> -> vector<16xf32>
      %broadcast_in_dim3A_160 = vector.shape_cast %get3A_153 : vector<16xi32> to vector<16x1xi32>
      %gather3A_161 = vector.shape_cast %broadcast_in_dim3A_160 : vector<16x1xi32> to vector<16xi32>
      %gather3A_162 = tpu.dynamic_gather %select_n3A_136[%gather3A_161] in [0] : vector<16xf32>, vector<16xi32> -> vector<16xf32>
      %get3A_163 = arith.constant 64 : index
      %get3A_164 = tpu.vector_load %arg9[%get3A_163] {strides = array<i32>} : memref<128xi32, #tpu.memory_space<vmem>>, vector<16xi32>,
      %get3A_165 = vector.shape_cast %get3A_164 : vector<16xi32> to vector<16xi32>
      %broadcast_in_dim3A_166 = vector.shape_cast %get3A_165 : vector<16xi32> to vector<16x1xi32>
      %gather3A_167 = vector.shape_cast %broadcast_in_dim3A_166 : vector<16x1xi32> to vector<16xi32>
      %gather3A_168 = tpu.dynamic_gather %select_n3A_72[%gather3A_167] in [0] : vector<16xf32>, vector<16xi32> -> vector<16xf32>
      %broadcast_in_dim3A_169 = vector.shape_cast %get3A_165 : vector<16xi32> to vector<16x1xi32>
      %gather3A_170 = vector.shape_cast %broadcast_in_dim3A_169 : vector<16x1xi32> to vector<16xi32>
      %gather3A_171 = tpu.dynamic_gather %select_n3A_104[%gather3A_170] in [0] : vector<16xf32>, vector<16xi32> -> vector<16xf32>
      %broadcast_in_dim3A_172 = vector.shape_cast %get3A_165 : vector<16xi32> to vector<16x1xi32>
      %gather3A_173 = vector.shape_cast %broadcast_in_dim3A_172 : vector<16x1xi32> to vector<16xi32>
      %gather3A_174 = tpu.dynamic_gather %select_n3A_136[%gather3A_173] in [0] : vector<16xf32>, vector<16xi32> -> vector<16xf32>
      %get3A_175 = arith.constant 96 : index
      %get3A_176 = tpu.vector_load %arg9[%get3A_175] {strides = array<i32>} : memref<128xi32, #tpu.memory_space<vmem>>, vector<16xi32>,
      %get3A_177 = vector.shape_cast %get3A_176 : vector<16xi32> to vector<16xi32>
      %broadcast_in_dim3A_178 = vector.shape_cast %get3A_177 : vector<16xi32> to vector<16x1xi32>
      %gather3A_179 = vector.shape_cast %broadcast_in_dim3A_178 : vector<16x1xi32> to vector<16xi32>
      %gather3A_180 = tpu.dynamic_gather %select_n3A_72[%gather3A_179] in [0] : vector<16xf32>, vector<16xi32> -> vector<16xf32>
      %broadcast_in_dim3A_181 = vector.shape_cast %get3A_177 : vector<16xi32> to vector<16x1xi32>
      %gather3A_182 = vector.shape_cast %broadcast_in_dim3A_181 : vector<16x1xi32> to vector<16xi32>
      %gather3A_183 = tpu.dynamic_gather %select_n3A_104[%gather3A_182] in [0] : vector<16xf32>, vector<16xi32> -> vector<16xf32>
      %broadcast_in_dim3A_184 = vector.shape_cast %get3A_177 : vector<16xi32> to vector<16x1xi32>
      %gather3A_185 = vector.shape_cast %broadcast_in_dim3A_184 : vector<16x1xi32> to vector<16xi32>
      %gather3A_186 = tpu.dynamic_gather %select_n3A_136[%gather3A_185] in [0] : vector<16xf32>, vector<16xi32> -> vector<16xf32>
      %sub3A = arith.subf %gather3A_156, %gather3A_144 : vector<16xf32>
      %sub3A_187 = arith.subf %gather3A_159, %gather3A_147 : vector<16xf32>
      %sub3A_188 = arith.subf %gather3A_162, %gather3A_150 : vector<16xf32>
      %sub3A_189 = arith.subf %gather3A_168, %gather3A_144 : vector<16xf32>
      %sub3A_190 = arith.subf %gather3A_171, %gather3A_147 : vector<16xf32>
      %sub3A_191 = arith.subf %gather3A_174, %gather3A_150 : vector<16xf32>
      %sub3A_192 = arith.subf %gather3A_180, %gather3A_144 : vector<16xf32>
      %sub3A_193 = arith.subf %gather3A_183, %gather3A_147 : vector<16xf32>
      %sub3A_194 = arith.subf %gather3A_186, %gather3A_150 : vector<16xf32>
      %mul3A_195 = arith.mulf %sub3A_187, %sub3A_191 : vector<16xf32>
      %mul3A_196 = arith.mulf %sub3A_188, %sub3A_190 : vector<16xf32>
      %sub3A_197 = arith.subf %mul3A_195, %mul3A_196 : vector<16xf32>
      %mul3A_198 = arith.mulf %sub3A_188, %sub3A_189 : vector<16xf32>
      %mul3A_199 = arith.mulf %sub3A, %sub3A_191 : vector<16xf32>
      %sub3A_200 = arith.subf %mul3A_198, %mul3A_199 : vector<16xf32>
      %mul3A_201 = arith.mulf %sub3A, %sub3A_190 : vector<16xf32>
      %mul3A_202 = arith.mulf %sub3A_187, %sub3A_189 : vector<16xf32>
      %sub3A_203 = arith.subf %mul3A_201, %mul3A_202 : vector<16xf32>
      %mul3A_204 = arith.mulf %sub3A_188, %sub3A_193 : vector<16xf32>
      %mul3A_205 = arith.mulf %sub3A_187, %sub3A_194 : vector<16xf32>
      %sub3A_206 = arith.subf %mul3A_204, %mul3A_205 : vector<16xf32>
      %mul3A_207 = arith.mulf %sub3A, %sub3A_194 : vector<16xf32>
      %mul3A_208 = arith.mulf %sub3A_188, %sub3A_192 : vector<16xf32>
      %sub3A_209 = arith.subf %mul3A_207, %mul3A_208 : vector<16xf32>
      %mul3A_210 = arith.mulf %sub3A_187, %sub3A_192 : vector<16xf32>
      %mul3A_211 = arith.mulf %sub3A, %sub3A_193 : vector<16xf32>
      %sub3A_212 = arith.subf %mul3A_210, %mul3A_211 : vector<16xf32>
      %mul3A_213 = arith.mulf %sub3A_197, %sub3A_206 : vector<16xf32>
      %mul3A_214 = arith.mulf %sub3A_200, %sub3A_209 : vector<16xf32>
      %add3A_215 = arith.addf %mul3A_213, %mul3A_214 : vector<16xf32>
      %mul3A_216 = arith.mulf %sub3A_203, %sub3A_212 : vector<16xf32>
      %add3A_217 = arith.addf %add3A_215, %mul3A_216 : vector<16xf32>
      %mul3A_218 = arith.mulf %sub3A_197, %sub3A_197 : vector<16xf32>
      %mul3A_219 = arith.mulf %sub3A_200, %sub3A_200 : vector<16xf32>
      %add3A_220 = arith.addf %mul3A_218, %mul3A_219 : vector<16xf32>
      %mul3A_221 = arith.mulf %sub3A_203, %sub3A_203 : vector<16xf32>
      %add3A_222 = arith.addf %add3A_220, %mul3A_221 : vector<16xf32>
      %mul3A_223 = arith.mulf %sub3A_206, %sub3A_206 : vector<16xf32>
      %mul3A_224 = arith.mulf %sub3A_209, %sub3A_209 : vector<16xf32>
      %add3A_225 = arith.addf %mul3A_223, %mul3A_224 : vector<16xf32>
      %mul3A_226 = arith.mulf %sub3A_212, %sub3A_212 : vector<16xf32>
      %add3A_227 = arith.addf %add3A_225, %mul3A_226 : vector<16xf32>
      %mul3A_228 = arith.mulf %add3A_222, %add3A_227 : vector<16xf32>
      %bitcast_convert_type3A = tpu.bitcast %mul3A_228 : vector<16xf32> -> vector<16xi32>
      %shift_right_logical3A = arith.constant 1 : i32
      %shift_right_logical3A_229 = vector.broadcast %shift_right_logical3A : i32 to vector<16xi32>
      %shift_right_logical3A_230 = arith.shrui %bitcast_convert_type3A, %shift_right_logical3A_229 : vector<16xi32>
      %sub3A_231 = arith.constant 1597463007 : i32
      %sub3A_232 = vector.broadcast %sub3A_231 : i32 to vector<16xi32>
      %sub3A_233 = arith.subi %sub3A_232, %shift_right_logical3A_230 : vector<16xi32>
      %bitcast_convert_type3A_234 = tpu.bitcast %sub3A_233 : vector<16xi32> -> vector<16xf32>
      %mul3A_235 = arith.constant 5.000000e-01 : f32
      %mul3A_236 = vector.broadcast %mul3A_235 : f32 to vector<16xf32>
      %mul3A_237 = arith.mulf %mul3A_236, %mul3A_228 : vector<16xf32>
      %mul3A_238 = arith.mulf %mul3A_237, %bitcast_convert_type3A_234 : vector<16xf32>
      %mul3A_239 = arith.mulf %mul3A_238, %bitcast_convert_type3A_234 : vector<16xf32>
      %sub3A_240 = arith.constant 1.500000e+00 : f32
      %sub3A_241 = vector.broadcast %sub3A_240 : f32 to vector<16xf32>
      %sub3A_242 = arith.subf %sub3A_241, %mul3A_239 : vector<16xf32>
      %mul3A_243 = arith.mulf %bitcast_convert_type3A_234, %sub3A_242 : vector<16xf32>
      %mul3A_244 = arith.constant 5.000000e-01 : f32
      %mul3A_245 = vector.broadcast %mul3A_244 : f32 to vector<16xf32>
      %mul3A_246 = arith.mulf %mul3A_245, %mul3A_228 : vector<16xf32>
      %mul3A_247 = arith.mulf %mul3A_246, %mul3A_243 : vector<16xf32>
      %mul3A_248 = arith.mulf %mul3A_247, %mul3A_243 : vector<16xf32>
      %sub3A_249 = arith.constant 1.500000e+00 : f32
      %sub3A_250 = vector.broadcast %sub3A_249 : f32 to vector<16xf32>
      %sub3A_251 = arith.subf %sub3A_250, %mul3A_248 : vector<16xf32>
      %mul3A_252 = arith.mulf %mul3A_243, %sub3A_251 : vector<16xf32>
      %mul3A_253 = arith.constant 5.000000e-01 : f32
      %mul3A_254 = vector.broadcast %mul3A_253 : f32 to vector<16xf32>
      %mul3A_255 = arith.mulf %mul3A_254, %mul3A_228 : vector<16xf32>
      %mul3A_256 = arith.mulf %mul3A_255, %mul3A_252 : vector<16xf32>
      %mul3A_257 = arith.mulf %mul3A_256, %mul3A_252 : vector<16xf32>
      %sub3A_258 = arith.constant 1.500000e+00 : f32
      %sub3A_259 = vector.broadcast %sub3A_258 : f32 to vector<16xf32>
      %sub3A_260 = arith.subf %sub3A_259, %mul3A_257 : vector<16xf32>
      %mul3A_261 = arith.mulf %mul3A_252, %sub3A_260 : vector<16xf32>
      %mul3A_262 = arith.mulf %add3A_217, %mul3A_261 : vector<16xf32>
      %sub3A_263 = arith.constant 1.000000e+00 : f32
      %sub3A_264 = vector.broadcast %sub3A_263 : f32 to vector<16xf32>
      %sub3A_265 = arith.subf %sub3A_264, %mul3A_262 : vector<16xf32>
      %add3A_266 = arith.addf %broadcast_in_dim3A_138, %sub3A_265 : vector<16xf32>
      %get3A_267 = arith.constant 16 : index
      %get3A_268 = tpu.vector_load %arg9[%get3A_267] {strides = array<i32>} : memref<128xi32, #tpu.memory_space<vmem>>, vector<16xi32>,
      %get3A_269 = vector.shape_cast %get3A_268 : vector<16xi32> to vector<16xi32>
      %and3A_270 = arith.constant 15 : i32
      %and3A_271 = vector.broadcast %and3A_270 : i32 to vector<16xi32>
      %and3A_272 = arith.andi %get3A_269, %and3A_271 : vector<16xi32>
      %broadcast_in_dim3A_273 = vector.shape_cast %and3A_272 : vector<16xi32> to vector<16x1xi32>
      %gather3A_274 = vector.shape_cast %broadcast_in_dim3A_273 : vector<16x1xi32> to vector<16xi32>
      %gather3A_275 = tpu.dynamic_gather %select_n3A_72[%gather3A_274] in [0] : vector<16xf32>, vector<16xi32> -> vector<16xf32>
      %broadcast_in_dim3A_276 = vector.shape_cast %and3A_272 : vector<16xi32> to vector<16x1xi32>
      %gather3A_277 = vector.shape_cast %broadcast_in_dim3A_276 : vector<16x1xi32> to vector<16xi32>
      %gather3A_278 = tpu.dynamic_gather %select_n3A_104[%gather3A_277] in [0] : vector<16xf32>, vector<16xi32> -> vector<16xf32>
      %broadcast_in_dim3A_279 = vector.shape_cast %and3A_272 : vector<16xi32> to vector<16x1xi32>
      %gather3A_280 = vector.shape_cast %broadcast_in_dim3A_279 : vector<16x1xi32> to vector<16xi32>
      %gather3A_281 = tpu.dynamic_gather %select_n3A_136[%gather3A_280] in [0] : vector<16xf32>, vector<16xi32> -> vector<16xf32>
      %get3A_282 = arith.constant 48 : index
      %get3A_283 = tpu.vector_load %arg9[%get3A_282] {strides = array<i32>} : memref<128xi32, #tpu.memory_space<vmem>>, vector<16xi32>,
      %get3A_284 = vector.shape_cast %get3A_283 : vector<16xi32> to vector<16xi32>
      %and3A_285 = arith.constant 15 : i32
      %and3A_286 = vector.broadcast %and3A_285 : i32 to vector<16xi32>
      %and3A_287 = arith.andi %get3A_284, %and3A_286 : vector<16xi32>
      %broadcast_in_dim3A_288 = vector.shape_cast %and3A_287 : vector<16xi32> to vector<16x1xi32>
      %gather3A_289 = vector.shape_cast %broadcast_in_dim3A_288 : vector<16x1xi32> to vector<16xi32>
      %gather3A_290 = tpu.dynamic_gather %select_n3A_72[%gather3A_289] in [0] : vector<16xf32>, vector<16xi32> -> vector<16xf32>
      %broadcast_in_dim3A_291 = vector.shape_cast %and3A_287 : vector<16xi32> to vector<16x1xi32>
      %gather3A_292 = vector.shape_cast %broadcast_in_dim3A_291 : vector<16x1xi32> to vector<16xi32>
      %gather3A_293 = tpu.dynamic_gather %select_n3A_104[%gather3A_292] in [0] : vector<16xf32>, vector<16xi32> -> vector<16xf32>
      %broadcast_in_dim3A_294 = vector.shape_cast %and3A_287 : vector<16xi32> to vector<16x1xi32>
      %gather3A_295 = vector.shape_cast %broadcast_in_dim3A_294 : vector<16x1xi32> to vector<16xi32>
      %gather3A_296 = tpu.dynamic_gather %select_n3A_136[%gather3A_295] in [0] : vector<16xf32>, vector<16xi32> -> vector<16xf32>
      %get3A_297 = arith.constant 80 : index
      %get3A_298 = tpu.vector_load %arg9[%get3A_297] {strides = array<i32>} : memref<128xi32, #tpu.memory_space<vmem>>, vector<16xi32>,
      %get3A_299 = vector.shape_cast %get3A_298 : vector<16xi32> to vector<16xi32>
      %and3A_300 = arith.constant 15 : i32
      %and3A_301 = vector.broadcast %and3A_300 : i32 to vector<16xi32>
      %and3A_302 = arith.andi %get3A_299, %and3A_301 : vector<16xi32>
      %broadcast_in_dim3A_303 = vector.shape_cast %and3A_302 : vector<16xi32> to vector<16x1xi32>
      %gather3A_304 = vector.shape_cast %broadcast_in_dim3A_303 : vector<16x1xi32> to vector<16xi32>
      %gather3A_305 = tpu.dynamic_gather %select_n3A_72[%gather3A_304] in [0] : vector<16xf32>, vector<16xi32> -> vector<16xf32>
      %broadcast_in_dim3A_306 = vector.shape_cast %and3A_302 : vector<16xi32> to vector<16x1xi32>
      %gather3A_307 = vector.shape_cast %broadcast_in_dim3A_306 : vector<16x1xi32> to vector<16xi32>
      %gather3A_308 = tpu.dynamic_gather %select_n3A_104[%gather3A_307] in [0] : vector<16xf32>, vector<16xi32> -> vector<16xf32>
      %broadcast_in_dim3A_309 = vector.shape_cast %and3A_302 : vector<16xi32> to vector<16x1xi32>
      %gather3A_310 = vector.shape_cast %broadcast_in_dim3A_309 : vector<16x1xi32> to vector<16xi32>
      %gather3A_311 = tpu.dynamic_gather %select_n3A_136[%gather3A_310] in [0] : vector<16xf32>, vector<16xi32> -> vector<16xf32>
      %get3A_312 = arith.constant 112 : index
      %get3A_313 = tpu.vector_load %arg9[%get3A_312] {strides = array<i32>} : memref<128xi32, #tpu.memory_space<vmem>>, vector<16xi32>,
      %get3A_314 = vector.shape_cast %get3A_313 : vector<16xi32> to vector<16xi32>
      %and3A_315 = arith.constant 15 : i32
      %and3A_316 = vector.broadcast %and3A_315 : i32 to vector<16xi32>
      %and3A_317 = arith.andi %get3A_314, %and3A_316 : vector<16xi32>
      %broadcast_in_dim3A_318 = vector.shape_cast %and3A_317 : vector<16xi32> to vector<16x1xi32>
      %gather3A_319 = vector.shape_cast %broadcast_in_dim3A_318 : vector<16x1xi32> to vector<16xi32>
      %gather3A_320 = tpu.dynamic_gather %select_n3A_72[%gather3A_319] in [0] : vector<16xf32>, vector<16xi32> -> vector<16xf32>
      %broadcast_in_dim3A_321 = vector.shape_cast %and3A_317 : vector<16xi32> to vector<16x1xi32>
      %gather3A_322 = vector.shape_cast %broadcast_in_dim3A_321 : vector<16x1xi32> to vector<16xi32>
      %gather3A_323 = tpu.dynamic_gather %select_n3A_104[%gather3A_322] in [0] : vector<16xf32>, vector<16xi32> -> vector<16xf32>
      %broadcast_in_dim3A_324 = vector.shape_cast %and3A_317 : vector<16xi32> to vector<16x1xi32>
      %gather3A_325 = vector.shape_cast %broadcast_in_dim3A_324 : vector<16x1xi32> to vector<16xi32>
      %gather3A_326 = tpu.dynamic_gather %select_n3A_136[%gather3A_325] in [0] : vector<16xf32>, vector<16xi32> -> vector<16xf32>
      %sub3A_327 = arith.subf %gather3A_290, %gather3A_275 : vector<16xf32>
      %sub3A_328 = arith.subf %gather3A_293, %gather3A_278 : vector<16xf32>
      %sub3A_329 = arith.subf %gather3A_296, %gather3A_281 : vector<16xf32>
      %sub3A_330 = arith.subf %gather3A_305, %gather3A_275 : vector<16xf32>
      %sub3A_331 = arith.subf %gather3A_308, %gather3A_278 : vector<16xf32>
      %sub3A_332 = arith.subf %gather3A_311, %gather3A_281 : vector<16xf32>
      %sub3A_333 = arith.subf %gather3A_320, %gather3A_275 : vector<16xf32>
      %sub3A_334 = arith.subf %gather3A_323, %gather3A_278 : vector<16xf32>
      %sub3A_335 = arith.subf %gather3A_326, %gather3A_281 : vector<16xf32>
      %mul3A_336 = arith.mulf %sub3A_328, %sub3A_332 : vector<16xf32>
      %mul3A_337 = arith.mulf %sub3A_329, %sub3A_331 : vector<16xf32>
      %sub3A_338 = arith.subf %mul3A_336, %mul3A_337 : vector<16xf32>
      %mul3A_339 = arith.mulf %sub3A_329, %sub3A_330 : vector<16xf32>
      %mul3A_340 = arith.mulf %sub3A_327, %sub3A_332 : vector<16xf32>
      %sub3A_341 = arith.subf %mul3A_339, %mul3A_340 : vector<16xf32>
      %mul3A_342 = arith.mulf %sub3A_327, %sub3A_331 : vector<16xf32>
      %mul3A_343 = arith.mulf %sub3A_328, %sub3A_330 : vector<16xf32>
      %sub3A_344 = arith.subf %mul3A_342, %mul3A_343 : vector<16xf32>
      %mul3A_345 = arith.mulf %sub3A_329, %sub3A_334 : vector<16xf32>
      %mul3A_346 = arith.mulf %sub3A_328, %sub3A_335 : vector<16xf32>
      %sub3A_347 = arith.subf %mul3A_345, %mul3A_346 : vector<16xf32>
      %mul3A_348 = arith.mulf %sub3A_327, %sub3A_335 : vector<16xf32>
      %mul3A_349 = arith.mulf %sub3A_329, %sub3A_333 : vector<16xf32>
      %sub3A_350 = arith.subf %mul3A_348, %mul3A_349 : vector<16xf32>
      %mul3A_351 = arith.mulf %sub3A_328, %sub3A_333 : vector<16xf32>
      %mul3A_352 = arith.mulf %sub3A_327, %sub3A_334 : vector<16xf32>
      %sub3A_353 = arith.subf %mul3A_351, %mul3A_352 : vector<16xf32>
      %mul3A_354 = arith.mulf %sub3A_338, %sub3A_347 : vector<16xf32>
      %mul3A_355 = arith.mulf %sub3A_341, %sub3A_350 : vector<16xf32>
      %add3A_356 = arith.addf %mul3A_354, %mul3A_355 : vector<16xf32>
      %mul3A_357 = arith.mulf %sub3A_344, %sub3A_353 : vector<16xf32>
      %add3A_358 = arith.addf %add3A_356, %mul3A_357 : vector<16xf32>
      %mul3A_359 = arith.mulf %sub3A_338, %sub3A_338 : vector<16xf32>
      %mul3A_360 = arith.mulf %sub3A_341, %sub3A_341 : vector<16xf32>
      %add3A_361 = arith.addf %mul3A_359, %mul3A_360 : vector<16xf32>
      %mul3A_362 = arith.mulf %sub3A_344, %sub3A_344 : vector<16xf32>
      %add3A_363 = arith.addf %add3A_361, %mul3A_362 : vector<16xf32>
      %mul3A_364 = arith.mulf %sub3A_347, %sub3A_347 : vector<16xf32>
      %mul3A_365 = arith.mulf %sub3A_350, %sub3A_350 : vector<16xf32>
      %add3A_366 = arith.addf %mul3A_364, %mul3A_365 : vector<16xf32>
      %mul3A_367 = arith.mulf %sub3A_353, %sub3A_353 : vector<16xf32>
      %add3A_368 = arith.addf %add3A_366, %mul3A_367 : vector<16xf32>
      %mul3A_369 = arith.mulf %add3A_363, %add3A_368 : vector<16xf32>
      %bitcast_convert_type3A_370 = tpu.bitcast %mul3A_369 : vector<16xf32> -> vector<16xi32>
      %shift_right_logical3A_371 = arith.constant 1 : i32
      %shift_right_logical3A_372 = vector.broadcast %shift_right_logical3A_371 : i32 to vector<16xi32>
      %shift_right_logical3A_373 = arith.shrui %bitcast_convert_type3A_370, %shift_right_logical3A_372 : vector<16xi32>
      %sub3A_374 = arith.constant 1597463007 : i32
      %sub3A_375 = vector.broadcast %sub3A_374 : i32 to vector<16xi32>
      %sub3A_376 = arith.subi %sub3A_375, %shift_right_logical3A_373 : vector<16xi32>
      %bitcast_convert_type3A_377 = tpu.bitcast %sub3A_376 : vector<16xi32> -> vector<16xf32>
      %mul3A_378 = arith.constant 5.000000e-01 : f32
      %mul3A_379 = vector.broadcast %mul3A_378 : f32 to vector<16xf32>
      %mul3A_380 = arith.mulf %mul3A_379, %mul3A_369 : vector<16xf32>
      %mul3A_381 = arith.mulf %mul3A_380, %bitcast_convert_type3A_377 : vector<16xf32>
      %mul3A_382 = arith.mulf %mul3A_381, %bitcast_convert_type3A_377 : vector<16xf32>
      %sub3A_383 = arith.constant 1.500000e+00 : f32
      %sub3A_384 = vector.broadcast %sub3A_383 : f32 to vector<16xf32>
      %sub3A_385 = arith.subf %sub3A_384, %mul3A_382 : vector<16xf32>
      %mul3A_386 = arith.mulf %bitcast_convert_type3A_377, %sub3A_385 : vector<16xf32>
      %mul3A_387 = arith.constant 5.000000e-01 : f32
      %mul3A_388 = vector.broadcast %mul3A_387 : f32 to vector<16xf32>
      %mul3A_389 = arith.mulf %mul3A_388, %mul3A_369 : vector<16xf32>
      %mul3A_390 = arith.mulf %mul3A_389, %mul3A_386 : vector<16xf32>
      %mul3A_391 = arith.mulf %mul3A_390, %mul3A_386 : vector<16xf32>
      %sub3A_392 = arith.constant 1.500000e+00 : f32
      %sub3A_393 = vector.broadcast %sub3A_392 : f32 to vector<16xf32>
      %sub3A_394 = arith.subf %sub3A_393, %mul3A_391 : vector<16xf32>
      %mul3A_395 = arith.mulf %mul3A_386, %sub3A_394 : vector<16xf32>
      %mul3A_396 = arith.constant 5.000000e-01 : f32
      %mul3A_397 = vector.broadcast %mul3A_396 : f32 to vector<16xf32>
      %mul3A_398 = arith.mulf %mul3A_397, %mul3A_369 : vector<16xf32>
      %mul3A_399 = arith.mulf %mul3A_398, %mul3A_395 : vector<16xf32>
      %mul3A_400 = arith.mulf %mul3A_399, %mul3A_395 : vector<16xf32>
      %sub3A_401 = arith.constant 1.500000e+00 : f32
      %sub3A_402 = vector.broadcast %sub3A_401 : f32 to vector<16xf32>
      %sub3A_403 = arith.subf %sub3A_402, %mul3A_400 : vector<16xf32>
      %mul3A_404 = arith.mulf %mul3A_395, %sub3A_403 : vector<16xf32>
      %mul3A_405 = arith.mulf %add3A_358, %mul3A_404 : vector<16xf32>
      %sub3A_406 = arith.constant 1.000000e+00 : f32
      %sub3A_407 = vector.broadcast %sub3A_406 : f32 to vector<16xf32>
      %sub3A_408 = arith.subf %sub3A_407, %mul3A_405 : vector<16xf32>
      %lt3A_409 = arith.constant 9 : i32
      %lt3A_410 = vector.broadcast %lt3A_409 : i32 to vector<16xi32>
      %lt3A_411 = arith.cmpi slt, %iota3A, %lt3A_410 : vector<16xi32>
      %jit3A = arith.constant 0.000000e+00 : f32
      %broadcast_in_dim3A_412 = vector.broadcast %jit3A : f32 to vector<16xf32>
      %select_n3A_413 = arith.select %lt3A_411, %sub3A_408, %broadcast_in_dim3A_412 : vector<16xi1>, vector<16xf32>
      %add3A_414 = arith.addf %add3A_266, %select_n3A_413 : vector<16xf32>
      %xor3A = arith.constant 8 : i32
      %xor3A_415 = vector.broadcast %xor3A : i32 to vector<16xi32>
      %xor3A_416 = arith.xori %iota3A, %xor3A_415 : vector<16xi32>
      %broadcast_in_dim3A_417 = vector.shape_cast %xor3A_416 : vector<16xi32> to vector<16x1xi32>
      %gather3A_418 = vector.shape_cast %broadcast_in_dim3A_417 : vector<16x1xi32> to vector<16xi32>
      %gather3A_419 = tpu.dynamic_gather %add3A_414[%gather3A_418] in [0] : vector<16xf32>, vector<16xi32> -> vector<16xf32>
      %add3A_420 = arith.addf %add3A_414, %gather3A_419 : vector<16xf32>
      %xor3A_421 = arith.constant 4 : i32
      %xor3A_422 = vector.broadcast %xor3A_421 : i32 to vector<16xi32>
      %xor3A_423 = arith.xori %iota3A, %xor3A_422 : vector<16xi32>
      %broadcast_in_dim3A_424 = vector.shape_cast %xor3A_423 : vector<16xi32> to vector<16x1xi32>
      %gather3A_425 = vector.shape_cast %broadcast_in_dim3A_424 : vector<16x1xi32> to vector<16xi32>
      %gather3A_426 = tpu.dynamic_gather %add3A_420[%gather3A_425] in [0] : vector<16xf32>, vector<16xi32> -> vector<16xf32>
      %add3A_427 = arith.addf %add3A_420, %gather3A_426 : vector<16xf32>
      %xor3A_428 = arith.constant 2 : i32
      %xor3A_429 = vector.broadcast %xor3A_428 : i32 to vector<16xi32>
      %xor3A_430 = arith.xori %iota3A, %xor3A_429 : vector<16xi32>
      %broadcast_in_dim3A_431 = vector.shape_cast %xor3A_430 : vector<16xi32> to vector<16x1xi32>
      %gather3A_432 = vector.shape_cast %broadcast_in_dim3A_431 : vector<16x1xi32> to vector<16xi32>
      %gather3A_433 = tpu.dynamic_gather %add3A_427[%gather3A_432] in [0] : vector<16xf32>, vector<16xi32> -> vector<16xf32>
      %add3A_434 = arith.addf %add3A_427, %gather3A_433 : vector<16xf32>
      %xor3A_435 = arith.constant 1 : i32
      %xor3A_436 = vector.broadcast %xor3A_435 : i32 to vector<16xi32>
      %xor3A_437 = arith.xori %iota3A, %xor3A_436 : vector<16xi32>
      %broadcast_in_dim3A_438 = vector.shape_cast %xor3A_437 : vector<16xi32> to vector<16x1xi32>
      %gather3A_439 = vector.shape_cast %broadcast_in_dim3A_438 : vector<16x1xi32> to vector<16xi32>
      %gather3A_440 = tpu.dynamic_gather %add3A_434[%gather3A_439] in [0] : vector<16xf32>, vector<16xi32> -> vector<16xf32>
      %add3A_441 = arith.addf %add3A_434, %gather3A_440 : vector<16xf32>
      %mul3A_442 = arith.constant 4.000000e-02 : f32
      %mul3A_443 = vector.broadcast %mul3A_442 : f32 to vector<16xf32>
      %mul3A_444 = arith.mulf %add3A_441, %mul3A_443 : vector<16xf32>
      %swap3A = arith.constant 0 : index
      %swap3A_445 = tpu.vector_load %arg10[%swap3A] {strides = array<i32>} : memref<16xf32, #tpu.memory_space<vmem>>, vector<16xf32>,
      %swap3A_446 = vector.shape_cast %swap3A_445 : vector<16xf32> to vector<16xf32>
      %swap3A_447 = vector.shape_cast %mul3A_444 : vector<16xf32> to vector<16xf32>
      tpu.vector_store %arg10[%swap3A], %swap3A_447 {strides = array<i32>} : memref<16xf32, #tpu.memory_space<vmem>>, vector<16xf32>,
      "tpu.region"() ({
        %run_scoped3A = tpu.sem_alloc : memref<!tpu.dma_semaphore, #tpu.memory_space<semaphore_mem>>
        tpu.enqueue_dma source(%arg10 : memref<16xf32, #tpu.memory_space<vmem>>) target(%arg7 : memref<16xf32, #tpu.memory_space<hbm>>) target_semaphore(%run_scoped3A : memref<!tpu.dma_semaphore, #tpu.memory_space<semaphore_mem>>)
        tpu.wait_dma2 semaphore(%run_scoped3A : memref<!tpu.dma_semaphore, #tpu.memory_space<semaphore_mem>>) src(%arg10 : memref<16xf32, #tpu.memory_space<vmem>>) dst(%arg7 : memref<16xf32, #tpu.memory_space<hbm>>)
        tpu.yield
      }) : () -> ()
    } else {
    }
    return
  }
}

</mosaic_0001>

<sc_bundles>
// kernel: kernel.3.cloned.1.call-start
scs
__scs_entry_jumppad:
0x0: {  	(pc) =	sbr.rel $0x88, $3  }
0x1: {  	(tag) =	ssettag $0x0;
	lr =	simm.s32 $0x1  }
0x2: {  	[smem:$0x3F9C] =	sst lr;
	_ =	strace $0xD0000000  }
0x3: {  	_ = 	snop  }
0x4: {  	_ = 	snop  }
0x5: {  	_ = 	snop  }
0x6: {  	_ = 	snop  }
0x7: {  	_ = 	snop  }
__scs_overlays_trampoline_lowered:
0x8: {  	[smem:$0x3FAB] =	sst s0  }
0x9: {  	[smem:$0x3FAC] =	sst s1  }
0xa: {  	[smem:$0x3FAD] =	sst s2  }
0xb: {  	[smem:$0x3FAE] =	sst s3  }
0xc: {  	[smem:$0x3FAF] =	sst s4  }
0xd: {  	[smem:$0x3FB0] =	sst s5  }
0xe: {  	[smem:$0x3FB1] =	sst s6  }
0xf: {  	[smem:$0x3FB2] =	sst s7  }
0x10: {  	[smem:$0x3FB3] =	sst s8  }
0x11: {  	[smem:$0x3FB4] =	sst s9;
	s0 =	simm.s32 @!p0 $0x0  }
0x12: {  	s1 =	sld [smem:$0x3F9A];
	s0 =	simm.s32 @p0 $0x1  }
0x13: {  	[smem:$0x3FB5] =	sst s0;
	s0 =	simm.s32 @!p1 $0x0  }
0x14: {  	s2 =	sld [smem:$0x3F99];
	s0 =	simm.s32 @p1 $0x1  }
0x15: {  	[smem:$0x3FB6] =	sst s0;
	s0 =	simm.s32 @!p2 $0x0  }
0x16: {  	s3 =	sld [smem:$0x3FDB];
	s0 =	simm.s32 @p2 $0x1  }
0x17: {  	s4 =	simm.s32 $0x1BF5;
	[smem:$0x3FB8] =	sst s0  }
0x18: {  	s0 =	sld [smem:$0x3F9B];
	_ =	swait.ge [sflag:s4], $0x0  }
0x19: {  	s7 =	sld [smem:$0x3F9C]  }
0x1a: {  	s8 =	sadd.s32 $0xFFFFE003, lr  }
0x1b: {  	s9 =	sadd.s32 $0xFFFFFEF7, lr;
	s5 =	simm.s32 $0xFFFFFFFF;
	p2 =	slt.u32 s8, $0xFFFFF086  }
0x1c: {  	p1 =	slt.u32 s9, $0xF7A;
	s5 =	simm.s32 @!p2 $0x0  }
0x1d: {  	s5 =	simm.s32 @p1 $0x1;
	p0 =	seq.s32 s7, s2  }
0x1e: {  	s7 =	smul.u32 @!p0 $0xF7A, s2;
	p2 =	seq.s32 @!p0 s5, $0x0  }
0x1f: {  	s9 =	smul.u32 $0xF7A, s1;
	s8 =	simm.s32 @!p0 $0x1BF5;
	p2 =	por !p2, p0  }
0x20: {  	[sflag:s8] =	ssyncset.s32 @!p0 $0xFFFFF086;
	s6 =	sadd.s32 @!p0 s3, s7;
	s7 =	simm.s32 @!p0 $0x108  }
0x21: {  	s3 =	sadd.s32 s3, s9;
	s6 =	sadd.s32 @!p0 $0x88, s6;
	s7 =	simm.s32 @p2 $0x1082  }
0x22: {  	[simem:s7], [sflag:s8] =	dma.local @!p0 [hbm:s6], $0xF7A  }
0x23: {  	s9 =	sor.u32 $0xD0000000, s2;
	s6 =	simm.s32 $0x108;
	_ =	swait.ge @!p0 [sflag:s8], $0x0  }
0x24: {  	s3 =	sadd.s32 $0x88, s3;
	s6 =	simm.s32 @!p1 $0x1082;
	[sflag:s4] =	ssyncset.s32 $0xFFFFF086  }
0x25: {  	[simem:s6], [sflag:s4] =	dma.local [hbm:s3], $0xF7A  }
0x26: {  	[smem:$0x3F9C] =	sst s1;
	(tag) =	ssettag s2;
	_ =	strace s9  }
0x27: {  	s1 =	sld [smem:$0x3FAC]  }
0x28: {  	s2 =	sld [smem:$0x3FAD]  }
0x29: {  	s4 =	sld [smem:$0x3FAF]  }
0x2a: {  	p0 =	seq.s32 s5, $0x0;
	s5 =	sld [smem:$0x3FB0]  }
0x2b: {  	s6 =	sld [smem:$0x3FB1]  }
0x2c: {  	s7 =	sld [smem:$0x3FB2]  }
0x2d: {  	s3 =	simm.s32 $0x108;
	s8 =	sld [smem:$0x3FB3]  }
0x2e: {  	s3 =	simm.s32 @!p0 $0x1082;
	s9 =	sld [smem:$0x3FB4]  }
0x2f: {  	lr =	sadd.s32 s0, s3;
	s0 =	sld [smem:$0x3FAB]  }
0x30: {  	s3 =	sld [smem:$0x3FAE]  }
0x31: {  	[smem:$0x3FB7] =	sst s10  }
0x32: {  	s10 =	sld [smem:$0x3FB5];
	_ =	sdelay $0x3  }
0x33: {  	p0 =	seq.s32 s10, $0x1;
	s10 =	sld [smem:$0x3FB7];
	_ =	sdelay $0x3  }
0x34: {  	[smem:$0x3FB7] =	sst s10  }
0x35: {  	s10 =	sld [smem:$0x3FB6];
	_ =	sdelay $0x3  }
0x36: {  	p1 =	seq.s32 s10, $0x1;
	s10 =	sld [smem:$0x3FB7];
	_ =	sdelay $0x3  }
0x37: {  	[smem:$0x3FB7] =	sst s10  }
0x38: {  	s10 =	sld [smem:$0x3FB8]  }
0x39: {  	_ = 	snop;
	(pc) =	sbr.ind lr, $3  }
0x3a: {  	_ = 	snop  }
0x3b: {  	_ = 	snop  }
0x3c: {  	p2 =	seq.s32 s10, $0x1;
	s10 =	sld [smem:$0x3FB7]  }
0x3d: {  	_ =	shalt  }
0x3e: {  	_ =	shalt  }
0x3f: {  	_ =	shalt  }
0x40: {  	_ =	shalt  }
0x41: {  	_ =	shalt  }
0x42: {  	_ =	shalt  }
0x43: {  	_ =	shalt  }
0x44: {  	_ =	shalt  }
0x45: {  	_ =	shalt  }
0x46: {  	_ =	shalt  }
0x47: {  	_ =	shalt  }
0x48: {  	_ =	shalt  }
0x49: {  	_ =	shalt  }
0x4a: {  	_ =	shalt  }
0x4b: {  	_ =	shalt  }
0x4c: {  	_ =	shalt  }
0x4d: {  	_ =	shalt  }
0x4e: {  	_ =	shalt  }
0x4f: {  	_ =	shalt  }
0x50: {  	_ =	shalt  }
0x51: {  	_ =	shalt  }
0x52: {  	_ =	shalt  }
0x53: {  	_ =	shalt  }
0x54: {  	_ =	shalt  }
0x55: {  	_ =	shalt  }
0x56: {  	_ =	shalt  }
0x57: {  	_ =	shalt  }
0x58: {  	_ =	shalt  }
0x59: {  	_ =	shalt  }
0x5a: {  	_ =	shalt  }
0x5b: {  	_ =	shalt  }
0x5c: {  	_ =	shalt  }
0x5d: {  	_ =	shalt  }
0x5e: {  	_ =	shalt  }
0x5f: {  	_ =	shalt  }
0x60: {  	_ =	shalt  }
0x61: {  	_ =	shalt  }
0x62: {  	_ =	shalt  }
0x63: {  	_ =	shalt  }
0x64: {  	_ =	shalt  }
0x65: {  	_ =	shalt  }
0x66: {  	_ =	shalt  }
0x67: {  	_ =	shalt  }
0x68: {  	_ =	shalt  }
0x69: {  	_ =	shalt  }
0x6a: {  	_ =	shalt  }
0x6b: {  	_ =	shalt  }
0x6c: {  	_ =	shalt  }
0x6d: {  	_ =	shalt  }
0x6e: {  	_ =	shalt  }
0x6f: {  	_ =	shalt  }
0x70: {  	_ =	shalt  }
0x71: {  	_ =	shalt  }
0x72: {  	_ =	shalt  }
0x73: {  	_ =	shalt  }
0x74: {  	_ =	shalt  }
0x75: {  	_ =	shalt  }
0x76: {  	_ =	shalt  }
0x77: {  	_ =	shalt  }
0x78: {  	_ =	shalt  }
0x79: {  	_ =	shalt  }
0x7a: {  	_ =	shalt  }
0x7b: {  	_ =	shalt  }
0x7c: {  	_ =	shalt  }
0x7d: {  	_ =	shalt  }
0x7e: {  	_ =	shalt  }
0x7f: {  	_ =	shalt  }
0x80: {  	_ =	shalt  }
0x81: {  	_ =	shalt  }
0x82: {  	_ =	shalt  }
0x83: {  	_ =	shalt  }
0x84: {  	_ =	shalt  }
0x85: {  	_ =	shalt  }
0x86: {  	_ =	shalt  }
0x87: {  	_ =	shalt  }
.Lfunc_end0:
.L_simem_size_0:
called_computation_lowered:
.L_overlay_start_0:
0x88: {  	s0 =	sld [smem:$0x3FD9]  }
0x89: {  	s1 =	sld [smem:$0x3FFE];
	_ =	sdelay $0x3  }
0x8a: {  	s0 =	sadd.s32 s1, s0  }
0x8b: {  	[smem:$0x3FC3] =	sst s0  }
0x8c: {  	_ = 	snop  }
0x8d: {  	s0 =	sld [smem:$0x3FC8]  }
0x8e: {  	s16 =	sld [smem:$0x3FC7]  }
0x8f: {  	s2 =	sld [smem:$0x3FC6]  }
0x90: {  	s3 =	sld [smem:$0x3FC5]  }
0x91: {  	s4 =	sld [smem:$0x3FD0];
	(tm) =	ssettm $0x1  }
0x92: {  	s5 =	sld [smem:$0x3FFB];
	_ =	sdelay $0x3  }
0x93: {  	_ =	strace s5  }
0x94: {  	s5 =	sld [smem:$0x3FFC];
	_ =	sdelay $0x3  }
0x95: {  	_ =	strace s5  }
0x96: {  	s5 =	sld [smem:$0x3FFD];
	_ =	sdelay $0x3  }
0x97: {  	_ =	strace s5  }
0x98: {  	_ =	strace $0x8FFFFFFF  }
0x99: {  	s17 =	sld [smem:$0x3FDB];
	_ =	sdelay $0x1  }
0x9a: {  	s6 =	simm.s32 $_scs_section_size  }
0x9b: {  	s7 =	simm.s32 $_size__tile_overlayer_lowered;
	s8 =	simm.s32 $_tile_overlayer_lowered  }
0x9c: {  	s20 =	simm.s32 $0x1BFF;
	s19 =	sshll.u32 s8, $0x1;
	s5 =	sadd.s32 s6, s17  }
0x9d: {  	s9 =	simm.s32 $0x0;
	s18 =	sshll.u32 s7, $0x1;
	s7 =	sadd.s32 s19, s5  }
0x9e: {  	[timem:s9], [sflag:s20] =	dma.local [hbm:s7], s18  }
0x9f: {  	_ =	swait.ge [sflag:s20], s18  }
0xa0: {  	s6 =	ssub.s32 $0x0, s18;
	[sflag:s20] =	ssyncset.done $0x0  }
0xa1: {  	[sflag:s20] =	ssyncadd.s32 s6;
	_ =	sdelay $0x1  }
0xa2: {  	s21 =	simm.s32 $0x1B8B  }
0xa3: {  	_ =	swait.ge [sflag:s21], $0x1  }
0xa4: {  	[sflag:s21] =	ssyncset.done $0x0  }
0xa5: {  	s23 =	simm.s32 $0x1B8E;
	s22 =	sld [smem:$0x3FFE];
	[sflag:s21] =	ssyncadd.s32 $0xFFFFFFFF  }
0xa6: {  	s24 =	simm.s32 $execute0_lowered;
	[smem:$0x3FD2] =	sst s23  }
0xa7: {  	s7 =	sshll.u32 s24, $0x1;
	_ =	strace $0x80000046;
	[dreg:$0x1] =	wrdreg $0xFFFFFFFF  }
0xa8: {  	s25 =	simm.s32 $_size_execute0_lowered;
	s5 =	sadd.s32 s5, s7;
	[dreg:$0x0] =	wrdreg $0x0  }
0xa9: {  	s7 =	sshll.u32 s25, $0x1;
	[dreg:$0x2] =	wrdreg s5  }
0xaa: {  	[dreg:$0x3] =	wrdreg s7  }
0xab: {  	[dreg:$0x4] =	wrdreg $0xC0  }
0xac: {  	_ =	task [dreg:s9], $0x5FFFF  }
0xad: {  	[dreg:$0x1] =	wrdreg $0xFFFFFFFF  }
0xae: {  	[dreg:$0x0] =	wrdreg $0x60  }
0xaf: {  	[dreg:$0x2] =	wrdreg s22  }
0xb0: {  	[dreg:$0x3] =	wrdreg s0  }
0xb1: {  	[dreg:$0x4] =	wrdreg s16  }
0xb2: {  	[dreg:$0x5] =	wrdreg s2  }
0xb3: {  	[dreg:$0x6] =	wrdreg s3  }
0xb4: {  	[dreg:$0x7] =	wrdreg s4  }
0xb5: {  	[dreg:$0x8] =	wrdreg $0x9  }
0xb6: {  	_ =	task.clear_ibuf [dreg:s9], $0x9FFFF;
	_ =	strace $0x90000046  }
0xb7: {  	s26 =	simm.s32 $0x9;
	_ =	strace $0x80000048  }
0xb8: {  	_ =	swait.ge [sflag:s26], $0x1  }
0xb9: {  	[sflag:s26] =	ssyncadd.s32 $0xFFFFFFFF  }
0xba: {  	_ =	strace $0x90000048  }
0xbb: {  	_ =	sfence  }
0xbc: {  	s28 =	sld [smem:$0x0];
	_ =	sdelay $0x1  }
0xbd: {  	s29 =	srdreg.scid  }
0xbe: {  	s30 =	sshll.u32 s29, $0xD;
	s31 =	sshrl.u32 s29, $0x2  }
0xbf: {  	s1 =	sand.u32 $0x1, s29;
	s2 =	sand.u32 $0x4000, s30;
	s0 =	sadd.s32 s31, s28  }
0xc0: {  	s1 =	sor.u32 s2, s1;
	s0 =	sshll.u32 s0, $0x11  }
0xc1: {  	s0 =	sor.u32 s0, s1  }
0xc2: {  	s0 =	sadd.s32 $0x8F2B, s0  }
0xc3: {  	[sflag:s0] =	ssyncadd.remote.s32 $0x1  }
0xc4: {  	_ =	sfence.sel $0xFFFF  }
0xc5: {  	[dreg:$0x0] =	wrdreg $0xFFFFFFFF;
	(pc) =	sbr.abs _section_cstart, $3  }
0xc6: {  	[dreg:$0x1] =	wrdreg $0xFFFFFFFF  }
0xc7: {  	_ =	task.clear_ibuf [dreg:s9], $0x2FFFF;
	_ =	strace $0x9FFFFFFF  }
0xc8: {  	(tm) =	ssettm $0x7FFFFFFF  }
0xc9: {  	_ =	shalt  }
tec
execute0_lowered:
.L_overlay_start_1:
0x0: {  	(tag) =	ssettag $0x1  }
0x1: {  	s2 =	rddreg [dreg:$0x0]  }
0x2: {  	s6 =	rddreg [dreg:$0x1]  }
0x3: {  	s5 =	rddreg [dreg:$0x2]  }
0x4: {  	s4 =	rddreg [dreg:$0x3]  }
0x5: {  	s3 =	rddreg [dreg:$0x4]  }
0x6: {  	s1 =	rddreg [dreg:$0x5];
	s7 =	stileid.u32  }
0x7: {  	s0 =	rddreg [dreg:$0x6];
	_ =	strace $0x80000047;
	p0 =	sne.s32 s7, $0x0  }
0x8: {  	_ =	sfence.sel @p0 $0x180000  }
0x9: {  	[bflag:$0x0] =	sbarrier.arrive @p0 $0xFFFF  }
0xa: {  	_ =	strace @p0 $0x90000047  }
0xb: {  	[bflag:$0x2] =	sbarrier.arrive @p0 $0xFFFF  }
0xc: {  	_ =	shalt @p0  }
.LBB2_1:
0xd: {  	s7 =	sadd.s32 $0x400, s2;
	s23 =	simm.s32 $0x0  }
0xe: {  	[tilespmem:s23], [sflag:$0x1] =	stream.linear.gather [hbm4b:s7+s23], $0x24, $0x38;
	[tilespmem:$0x180] =	vst v63  }
0xf: {  	s24 =	simm.s32 $0x80  }
0x10: {  	[tilespmem:s24], [sflag:$0x1] =	stream.linear.gather [hbm4b:s6+s23], $0x19, $0x38;
	[tilespmem:$0x180] =	vst v63  }
0x11: {  	s25 =	simm.s32 $0xA0  }
0x12: {  	[tilespmem:s25], [sflag:$0x1] =	stream.linear.gather [hbm4b:s5+s23], $0x19, $0x38;
	[tilespmem:$0x180] =	vst v63  }
0x13: {  	s26 =	simm.s32 $0xC0  }
0x14: {  	[tilespmem:s26], [sflag:$0x1] =	stream.linear.gather [hbm4b:s4+s23], $0x19, $0x38;
	[tilespmem:$0x180] =	vst v63  }
0x15: {  	s28 =	simm.s32 $0xE0;
	s29 =	simm.s32 $0x1  }
0x16: {  	[tilespmem:s28], [sflag:$0x1] =	stream.linear.gather [hbm4b:s3+s23], $0x19, $0x38;
	[tilespmem:$0x180] =	vst v63  }
0x17: {  	_ =	swait.ge [sflag:s29], $0x24  }
0x18: {  	[sflag:s29] =	ssyncset.done $0x0  }
0x19: {  	[sflag:s29] =	ssyncadd.s32 $0xFFFFFFDC  }
0x1a: {  	_ =	swait.ge [sflag:s29], $0x19  }
0x1b: {  	[sflag:s29] =	ssyncset.done $0x0  }
0x1c: {  	[sflag:s29] =	ssyncadd.s32 $0xFFFFFFE7  }
0x1d: {  	_ =	swait.ge [sflag:s29], $0x19  }
0x1e: {  	[sflag:s29] =	ssyncset.done $0x0  }
0x1f: {  	[sflag:s29] =	ssyncadd.s32 $0xFFFFFFE7  }
0x20: {  	_ =	swait.ge [sflag:s29], $0x19  }
0x21: {  	[sflag:s29] =	ssyncset.done $0x0  }
0x22: {  	v0 =	vimm.s32 $0xDA741EB8;
	[sflag:s29] =	ssyncadd.s32 $0xFFFFFFE7  }
0x23: {  	v1 =	vimm.s32 $0x52FC9630;
	v4 =	vimm.s32 $0xEB852FC9;
	_ =	swait.ge [sflag:s29], $0x19  }
0x24: {  	v45 =	vimm.s32 $0x630DA741;
	v0 =	vunpack.c.l.s4.s8 v0;
	v1 =	vunpack.c.l.s4.s8 v1;
	[sflag:s29] =	ssyncset.done $0x0  }
0x25: {  	v6 =	vimm.s32 $0xFC9630DA;
	v7 =	vimm.s32 $0x741EB852;
	v44 =	vunpack.c.l.s4.s8 v4;
	[sflag:s29] =	ssyncadd.s32 $0xFFFFFFE7  }
0x26: {  	v4 =	vunpack.c.l.s4.s8 v45;
	v0 =	vunpack.c.0.s8.s32 v0;
	v1 =	vunpack.c.0.s8.s32 v1;
	v2 =	vld [tilespmem:$0x0]  }
0x27: {  	v6 =	vunpack.c.l.s4.s8 v6;
	v7 =	vunpack.c.l.s4.s8 v7;
	v3 =	vld [tilespmem:$0x10]  }
0x28: {  	v4 =	vunpack.c.0.s8.s32 v4;
	v0 =	vcombine.low v1, v0;
	v1 =	vunpack.c.0.s8.s32 v44;
	v5 =	vld [tilespmem:$0x20]  }
0x29: {  	v6 =	vunpack.c.0.s8.s32 v6;
	v7 =	vunpack.c.0.s8.s32 v7  }
0x2a: {  	vm0 =	vmmov $0x3f;
	v1 =	vcombine.low v4, v1  }
0x2b: {  	vm13 =	vmmov $0x7ff;
	v6 =	vcombine.low v7, v6;
	v0 =	vand.u32 $0xF, v0;
	v47 =	vld [tilespmem:$0x80]  }
0x2c: {  	v1 =	vand.u32 $0xF, v1;
	v8 =	vperm.xlane v2, v0;
	v9 =	vperm.xlane v3, v0  }
0x2d: {  	v6 =	vand.u32 $0xF, v6;
	v0 =	vperm.xlane v5, v0;
	v48 =	vperm.xlane v2, v1  }
0x2e: {  	vm1 =	vmmov $0x1f;
	v50 =	vld [tilespmem:$0xA0];
	v49 =	vperm.xlane v3, v1;
	v2 =	vperm.xlane v2, v6  }
0x2f: {  	vm14 =	vmmov $0x3ff;
	v10 =	vld [tilespmem:$0xC0];
	v3 =	vperm.xlane v3, v6;
	v1 =	vperm.xlane v5, v1  }
0x30: {  	v5 =	vperm.xlane v5, v6;
	v51 =	vand.u32 $0xF, v47;
	v46 =	vsel vm0, v8, v9  }
0x31: {  	v52 =	vld [tilespmem:$0xE0];
	v4 =	vsel vm1, v48, v49;
	v2 =	vsel vm1, v2, v3;
	v0 =	vsel vm13, v46, v0  }
0x32: {  	v59 =	vld [tilespmem:$0x90];
	v1 =	vsel vm13, v4, v1;
	v2 =	vsel vm14, v2, v5;
	v53 =	vperm.xlane v0, v51  }
0x33: {  	v55 =	vand.u32 $0xF, v50;
	v54 =	vperm.xlane v1, v51;
	v3 =	vperm.xlane v2, v51  }
0x34: {  	v17 =	vld [tilespmem:$0xB0];
	v10 =	vand.u32 $0xF, v10;
	v56 =	vperm.xlane v0, v55;
	v9 =	vperm.xlane v1, v55  }
0x35: {  	v7 =	vperm.xlane v2, v55;
	v11 =	vperm.xlane v0, v10  }
0x36: {  	v6 =	vand.u32 $0xF, v52;
	v12 =	vperm.xlane v1, v10;
	v10 =	vperm.xlane v2, v10  }
0x37: {  	v23 =	vand.u32 $0xF, v59;
	v13 =	vperm.xlane v0, v6;
	v14 =	vperm.xlane v1, v6  }
0x38: {  	v6 =	vperm.xlane v2, v6;
	v25 =	vperm.xlane v0, v23  }
0x39: {  	v17 =	vand.u32 $0xF, v17;
	v26 =	vperm.xlane v1, v23;
	v27 =	vperm.xlane v2, v23  }
0x3a: {  	v28 =	vperm.xlane v0, v17;
	v9 =	vsub.f32 v9, v54;
	v7 =	vsub.f32 v7, v3  }
0x3b: {  	v24 =	vld [tilespmem:$0xF0];
	v18 =	vperm.xlane v1, v17;
	v12 =	vsub.f32 v12, v54;
	v10 =	vsub.f32 v10, v3  }
0x3c: {  	v17 =	vperm.xlane v2, v17;
	v8 =	vsub.f32 v56, v53;
	v11 =	vsub.f32 v11, v53  }
0x3d: {  	v5 =	vsub.f32 v14, v54;
	v57 =	vmul.f32 v10, v9;
	v15 =	vmul.f32 v12, v7  }
0x3e: {  	v63 =	vld [tilespmem:$0xD0];
	v3 =	vsub.f32 v6, v3;
	v58 =	vmul.f32 v11, v7;
	v10 =	vmul.f32 v10, v8  }
0x3f: {  	v4 =	vsub.f32 v13, v53;
	v12 =	vmul.f32 v12, v8;
	v11 =	vmul.f32 v11, v9  }
0x40: {  	v13 =	vand.u32 $0xF, v24;
	v60 =	vmul.f32 v5, v7;
	v16 =	vmul.f32 v3, v9  }
0x41: {  	v18 =	vsub.f32 v18, v26;
	v3 =	vmul.f32 v3, v8;
	v7 =	vmul.f32 v4, v7  }
0x42: {  	v17 =	vsub.f32 v17, v27;
	v4 =	vmul.f32 v4, v9;
	v5 =	vmul.f32 v5, v8  }
0x43: {  	v9 =	vsub.f32 v28, v25;
	v61 =	vsub.f32 v12, v11;
	v12 =	vand.u32 $0xF, v63  }
0x44: {  	v14 =	vsub.f32 v57, v15;
	v29 =	vperm.xlane v0, v12;
	v19 =	vperm.xlane v1, v12  }
0x45: {  	v6 =	vsub.f32 v58, v10;
	v12 =	vperm.xlane v2, v12;
	v1 =	vperm.xlane v1, v13  }
0x46: {  	v62 =	vsub.f32 v60, v16;
	v2 =	vperm.xlane v2, v13;
	v0 =	vperm.xlane v0, v13  }
0x47: {  	v3 =	vsub.f32 v3, v7;
	v21 =	vmul.f32 v14, v14;
	v22 =	vmul.f32 v6, v6  }
0x48: {  	v41 =	vmul.f32 v62, v62;
	v19 =	vsub.f32 v19, v26;
	v12 =	vsub.f32 v12, v27  }
0x49: {  	v42 =	vmul.f32 v3, v3;
	v8 =	vsub.f32 v29, v25;
	v1 =	vsub.f32 v1, v26  }
0x4a: {  	v2 =	vsub.f32 v2, v27;
	v30 =	vmul.f32 v12, v18;
	v31 =	vmul.f32 v19, v17  }
0x4b: {  	v0 =	vsub.f32 v0, v25;
	v32 =	vmul.f32 v8, v17;
	v12 =	vmul.f32 v12, v9  }
0x4c: {  	v33 =	vmul.f32 v1, v17;
	v34 =	vmul.f32 v2, v18  }
0x4d: {  	v2 =	vmul.f32 v2, v9;
	v35 =	vmul.f32 v0, v17  }
0x4e: {  	v4 =	vsub.f32 v4, v5;
	v36 =	vmul.f32 v19, v9;
	v8 =	vmul.f32 v8, v18  }
0x4f: {  	v0 =	vmul.f32 v0, v18;
	v5 =	vsub.f32 v30, v31;
	v12 =	vsub.f32 v32, v12  }
0x50: {  	v1 =	vmul.f32 v1, v9;
	v13 =	vsub.f32 v33, v34;
	v2 =	vsub.f32 v2, v35  }
0x51: {  	v8 =	vsub.f32 v36, v8;
	v37 =	vmul.f32 v5, v5;
	v38 =	vmul.f32 v12, v12  }
0x52: {  	v0 =	vsub.f32 v0, v1;
	v39 =	vmul.f32 v13, v13;
	v40 =	vmul.f32 v2, v2  }
0x53: {  	v45 =	vmul.f32 v61, v61;
	v43 =	vmul.f32 v8, v8  }
0x54: {  	v44 =	vmul.f32 v0, v0;
	v9 =	vadd.f32 v38, v37;
	v1 =	vadd.f32 v40, v39  }
0x55: {  	v46 =	vmul.f32 v4, v4;
	v7 =	vadd.f32 v22, v21;
	v17 =	vadd.f32 v42, v41  }
0x56: {  	v9 =	vadd.f32 v9, v43;
	v1 =	vadd.f32 v1, v44  }
0x57: {  	v7 =	vadd.f32 v7, v45;
	v47 =	vadd.f32 v17, v46  }
0x58: {  	v1 =	vmul.f32 v1, v9  }
0x59: {  	v7 =	vmul.f32 v47, v7  }
0x5a: {  	v9 =	vshrl.u32 v1, $0x1;
	v1 =	vmul.f32 $5.000000000e-01, v1  }
0x5b: {  	v15 =	vshrl.u32 v7, $0x1;
	v7 =	vmul.f32 $5.000000000e-01, v7;
	v9 =	vsub.s32 $0x5F3759DF, v9  }
0x5c: {  	v15 =	vsub.s32 $0x5F3759DF, v15;
	v48 =	vmul.f32 v9, v1  }
0x5d: {  	v49 =	vmul.f32 v15, v7  }
0x5e: {  	v16 =	vmul.f32 v9, v48  }
0x5f: {  	v17 =	vmul.f32 v15, v49  }
0x60: {  	v16 =	vsub.f32 $1.500000000e+00, v16  }
0x61: {  	v17 =	vsub.f32 $1.500000000e+00, v17  }
0x62: {  	v9 =	vmul.f32 v9, v16  }
0x63: {  	v15 =	vmul.f32 v15, v17  }
0x64: {  	v16 =	vmul.f32 v9, v1  }
0x65: {  	v17 =	vmul.f32 v15, v7  }
0x66: {  	v16 =	vmul.f32 v16, v9  }
0x67: {  	v17 =	vmul.f32 v17, v15  }
0x68: {  	v16 =	vsub.f32 $1.500000000e+00, v16  }
0x69: {  	v17 =	vsub.f32 $1.500000000e+00, v17  }
0x6a: {  	v9 =	vmul.f32 v16, v9  }
0x6b: {  	v15 =	vmul.f32 v17, v15  }
0x6c: {  	v11 =	vmul.f32 v62, v14;
	v1 =	vmul.f32 v9, v1  }
0x6d: {  	v5 =	vmul.f32 v13, v5;
	v7 =	vmul.f32 v15, v7  }
0x6e: {  	v2 =	vmul.f32 v2, v12;
	v1 =	vmul.f32 v1, v9  }
0x6f: {  	v3 =	vmul.f32 v3, v6;
	v50 =	vmul.f32 v7, v15  }
0x70: {  	v0 =	vmul.f32 v0, v8;
	v2 =	vadd.f32 v2, v5;
	v1 =	vsub.f32 $1.500000000e+00, v1  }
0x71: {  	v4 =	vmul.f32 v4, v61;
	v3 =	vadd.f32 v3, v11;
	v51 =	vsub.f32 $1.500000000e+00, v50  }
0x72: {  	v0 =	vadd.f32 v2, v0;
	v1 =	vmul.f32 v1, v9  }
0x73: {  	v54 =	vimm.s32 $0xFEDCBA98;
	v52 =	vadd.f32 v3, v4;
	v53 =	vmul.f32 v51, v15  }
0x74: {  	v55 =	vimm.s32 $0x76543210;
	v0 =	vmul.f32 v1, v0;
	v1 =	vunpack.c.l.s4.s8 v54  }
0x75: {  	v3 =	vunpack.c.l.s4.s8 v55;
	v2 =	vmul.f32 v53, v52  }
0x76: {  	v0 =	vsub.f32 $1.000000000e+00, v0;
	v1 =	vunpack.c.0.s8.s32 v1  }
0x77: {  	vm15 =	vmmov $0x1ff;
	v3 =	vunpack.c.0.s8.s32 v3;
	v2 =	vsub.f32 $1.000000000e+00, v2  }
0x78: {  	v56 =	vimm.s32 $0xBA98FEDC;
	v0 =	vnsel vm15, $0x0, v0;
	v1 =	vand.u32 $0xF, v1  }
0x79: {  	v57 =	vimm.s32 $0x32107654;
	v0 =	vadd.f32 v0, v2;
	v1 =	vcombine.low v1, v3  }
0x7a: {  	v2 =	vunpack.c.l.s4.s8 v56;
	v3 =	vunpack.c.l.s4.s8 v57  }
0x7b: {  	v1 =	vperm.xlane v0, v1  }
0x7c: {  	v2 =	vunpack.c.0.s8.s32 v2;
	v3 =	vunpack.c.0.s8.s32 v3  }
0x7d: {  	v59 =	vimm.s32 $0xDCFE98BA;
	v60 =	vimm.s32 $0x54761032;
	v0 =	vadd.f32 v0, v1  }
0x7e: {  	v58 =	vcombine.low v3, v2;
	v2 =	vunpack.c.l.s4.s8 v59;
	v3 =	vunpack.c.l.s4.s8 v60  }
0x7f: {  	v62 =	vimm.s32 $0x67452301  }
0x80: {  	v1 =	vperm.xlane v0, v58;
	v2 =	vunpack.c.0.s8.s32 v2;
	v3 =	vunpack.c.0.s8.s32 v3  }
0x81: {  	v61 =	vimm.s32 $0xEFCDAB89;
	v63 =	vunpack.c.l.s4.s8 v62  }
0x82: {  	v0 =	vadd.f32 v0, v1;
	v2 =	vcombine.low v3, v2;
	v1 =	vunpack.c.l.s4.s8 v61;
	_ =	sdelay $0x1  }
0x83: {  	v3 =	vunpack.c.0.s8.s32 v63;
	v2 =	vperm.xlane v0, v2;
	v1 =	vunpack.c.0.s8.s32 v1;
	_ =	sdelay $0x1  }
0x84: {  	v0 =	vadd.f32 v0, v2;
	v1 =	vcombine.low v3, v1;
	_ =	sdelay $0x1  }
0x85: {  	v1 =	vperm.xlane v0, v1;
	_ =	sdelay $0x1  }
0x86: {  	v0 =	vadd.f32 v0, v1;
	_ =	sdelay $0x1  }
0x87: {  	v0 =	vmul.f32 $3.999999910e-02, v0;
	_ =	sdelay $0x1  }
0x88: {  	s30 =	simm.s32 $0x100;
	s31 =	simm.s32 $0x2;
	[tilespmem:$0x100] =	vst v0  }
0x89: {  	[hbm4b:s1+s23] =	stream.linear.scatter [tilespmem:s30], [sflag:$0x2], $0x80, $0x38;
	[tilespmem:$0x180] =	vst v63  }
0x8a: {  	_ =	swait.ge [sflag:s31], $0x80  }
0x8b: {  	[sflag:s31] =	ssyncset.done $0x0  }
0x8c: {  	[sflag:s31] =	ssyncadd.s32 $0xFFFFFF80  }
0x8d: {  	_ =	sfence.sel $0x180000  }
0x8e: {  	[bflag:$0x0] =	sbarrier.arrive $0xFFFF  }
0x8f: {  	_ =	strace $0x90000047  }
0x90: {  	s0 =	sadd.s32 $0x100000, s0;
	[bflag:$0x2] =	sbarrier.arrive $0xFFFF  }
0x91: {  	[sflag:s0] =	ssyncadd.tile.s32 $0x1;
	_ =	shalt  }
.Lfunc_end2:
_tile_overlayer_lowered:
.L_overlay_start_2:
0x92: {  	(tag) =	ssettag $0x2  }
0x93: {  	s0 =	rddreg [dreg:$0x0];
	s2 =	stileid.u32  }
0x94: {  	s1 =	rddreg [dreg:$0x1];
	p0 =	sne.s32 s2, $0x0  }
0x95: {  	s3 =	rddreg [dreg:$0x2];
	[bflag:$0x3] =	sbarrier.arrive $0xFFFF;
	s2 =	simm.s32 @!p0 $0x1C02  }
0x96: {  	[timem:s3], [sflag:s2] =	dma.local @!p0 [hbm:s0], s1  }
0x97: {  	s0 =	simm.s32 @!p0 $0x2  }
0x98: {  	_ =	swait.ge @!p0 [sflag:s0], s1  }
0x99: {  	s1 =	ssub.s32 @!p0 $0x0, s1;
	[sflag:s0] =	ssyncset.done @!p0 $0x0  }
0x9a: {  	[sflag:s0] =	ssyncadd.s32 @!p0 s1  }
0x9b: {  	[bflag:$0x3] =	sbarrier.arrive $0xFFFF  }
0x9c: {  	_ =	shalt  }

</sc_bundles>
